<compile_context>
chip_gen: v7x
topology: tpu7x:2x2x1
jax: 0.10.2.dev20260603
libtpu: 0.0.44.dev20260713+nightly
codegen_flags: <defaults>
</compile_context>

<pallas_src>
import functools

import jax
import jax.numpy as jnp
from jax import lax
from jax.experimental import pallas as pl
from jax.experimental.pallas import tpu as pltpu
from jax.experimental.pallas import tpu_sc as plsc

_N = 1024
_LOWER = -4.0
_UPPER = 4.0
_DT = 0.01
_B = 131072

_NC = 2
_NS = 16
_NW = _NC * _NS
_L = 16
_NB = _B // 128
_BLOCKS = _NB // _NW
_VPB = 128 // _L

_SCALE = _N / (_UPPER - _LOWER)
_BIAS = 0.5 - _LOWER * _SCALE


@functools.partial(
    pl.kernel,
    out_type=jax.ShapeDtypeStruct((_NB, 2, 128), jnp.float32),
    mesh=plsc.VectorSubcoreMesh(core_axis_name="c", subcore_axis_name="s"),
    scratch_types=[
        pltpu.VMEM((_BLOCKS, 2, 128), jnp.float32),
        pltpu.VMEM((_N,), jnp.float32),
        pltpu.SemaphoreType.DMA,
        pltpu.SemaphoreType.DMA,
        pltpu.SemaphoreType.DMA,
    ],
    compiler_params=pltpu.CompilerParams(
        needs_layout_passes=False, use_tc_tiling_on_sc=False
    ),
)
def _sc_kernel(x_hbm, force_hbm, out_hbm, buf, force_v, sem, sem1, sem2):
    wid = lax.axis_index("s") * _NC + lax.axis_index("c")
    base = wid * _BLOCKS
    slab = pltpu.async_copy(x_hbm.at[pl.ds(base, _BLOCKS)], buf, sem)
    pltpu.sync_copy(force_hbm, force_v)

    @plsc.parallel_loop(0, _N // _L, unroll=8)
    def prescale(i):
        sl = pl.ds(i * _L, _L)
        force_v[sl] = force_v[sl] * _DT

    slab.wait()

    @plsc.parallel_loop(0, _BLOCKS * _VPB, unroll=16)
    def step(i):
        j = i // _VPB
        sl = pl.ds((i % _VPB) * _L, _L)
        u = buf[j, 0, sl] * _SCALE + _BIAS
        u = jnp.minimum(jnp.maximum(u, 0.5), float(_N - 1) + 0.5)
        idx = u.astype(jnp.int32)
        buf[j, 1, sl] = buf[j, 1, sl] + plsc.load_gather(force_v, [idx])

    pltpu.sync_copy(buf, out_hbm.at[pl.ds(base, _BLOCKS)])


def kernel(X, force):
    xb = X.reshape(_NB, 128, 2).transpose(0, 2, 1)
    ob = _sc_kernel(xb, force)
    return ob.transpose(0, 2, 1).reshape(_B, 2)

# --- scband reference (transcript-rebuilt; emitter-appended) ---
"""Pipeline reference for scband-f-percentage-function-64424509440295 (READ-ONLY COPY).

The authoritative reference and input builder live on the scoring server;
editing this copy changes nothing except your own understanding.
"""

import jax, jax.numpy as jnp
import numpy as np

N = 1024
LOWER = -4.0
UPPER = 4.0
DT = 0.01
B = 131072

def setup_inputs(seed: int = 0) -> dict:
    key = jax.random.key(seed)
    k1, k2 = jax.random.split(key)
    X = jax.random.normal(k1, (B, 2), dtype=jnp.float32)
    force = jax.random.uniform(k2, (N,), dtype=jnp.float32)
    return {"X": X, "force": force}

def reference(X, force):
    # force_type == 'position'
    x = X[:, 0]
    v = X[:, 1]
    y = x
    y_percentage = (y - LOWER) / (UPPER - LOWER) * 100.0
    grid = (jnp.arange(N, dtype=jnp.float32) * (100.0 / N))
    idx = jnp.argmin(jnp.abs(y_percentage[:, None] - grid[None, :]), axis=1)
    selected_force = jnp.take(force, idx, axis=0)
    return jnp.stack([x, v + DT * selected_force]).T

if __name__ == "__main__":
    import jax
    _d = setup_inputs()
    print(jax.jit(kernel)(*tuple(_d.values())))

</pallas_src>

<mosaic_0001>
#map = affine_map<(d0, d1) -> (0, 0, 0)>
#map1 = affine_map<(d0, d1) -> (0)>
module attributes {stable_mosaic.version = 14 : i64} {
  func.func @_sc_kernel(%arg0: i32, %arg1: i32, %arg2: memref<1024x2x128xf32, #tpu.memory_space<hbm>>, %arg3: memref<1024xf32, #tpu.memory_space<hbm>>, %arg4: memref<1024x2x128xf32, #tpu.memory_space<hbm>>, %arg5: memref<32x2x128xf32, #tpu.memory_space<vmem>>, %arg6: memref<1024xf32, #tpu.memory_space<vmem>>, %arg7: memref<!tpu.dma_semaphore, #tpu.memory_space<semaphore_mem>>, %arg8: memref<!tpu.dma_semaphore, #tpu.memory_space<semaphore_mem>>, %arg9: memref<!tpu.dma_semaphore, #tpu.memory_space<semaphore_mem>>) attributes {dimension_semantics = [#tpu.dimension_semantics<core_parallel>, #tpu.dimension_semantics<subcore_parallel>], iteration_bounds = array<i64: 2, 16>, scalar_prefetch = 0 : i64, scratch_operands = 5 : i64, tpu.core_type = #tpu.core_type<sc_vector_subcore>, window_params = [{transform_indices = #map}, {transform_indices = #map1}, {transform_indices = #map}]} {
    %mul3A = arith.constant 2 : i32
    %mul3A_0 = arith.muli %arg1, %mul3A : i32
    %add3A = arith.addi %mul3A_0, %arg0 : i32
    %mul3A_1 = arith.constant 32 : i32
    %mul3A_2 = arith.muli %add3A, %mul3A_1 : i32
    %dma_start3A = arith.constant 0 : i32
    %dma_start3A_3 = arith.constant 0 : i32
    %dma_start3A_4 = tpu.memref_slice %arg2[%mul3A_2, %dma_start3A, %dma_start3A_3] : memref<1024x2x128xf32, #tpu.memory_space<hbm>> -> memref<32x2x128xf32, #tpu.memory_space<hbm>>
    %dma_start3A_5 = arith.constant 0 : i32
    %dma_start3A_6 = arith.constant 0 : i32
    %dma_start3A_7 = tpu.memref_slice %arg2[%mul3A_2, %dma_start3A_5, %dma_start3A_6] : memref<1024x2x128xf32, #tpu.memory_space<hbm>> -> memref<32x2x128xf32, #tpu.memory_space<hbm>>
    tpu.enqueue_dma source(%dma_start3A_7 : memref<32x2x128xf32, #tpu.memory_space<hbm>>) target(%arg5 : memref<32x2x128xf32, #tpu.memory_space<vmem>>) target_semaphore(%arg7 : memref<!tpu.dma_semaphore, #tpu.memory_space<semaphore_mem>>)
    "tpu.region"() ({
      %run_scoped3A = tpu.sem_alloc : memref<!tpu.dma_semaphore, #tpu.memory_space<semaphore_mem>>
      tpu.enqueue_dma source(%arg3 : memref<1024xf32, #tpu.memory_space<hbm>>) target(%arg6 : memref<1024xf32, #tpu.memory_space<vmem>>) target_semaphore(%run_scoped3A : memref<!tpu.dma_semaphore, #tpu.memory_space<semaphore_mem>>)
      tpu.wait_dma2 semaphore(%run_scoped3A : memref<!tpu.dma_semaphore, #tpu.memory_space<semaphore_mem>>) src(%arg3 : memref<1024xf32, #tpu.memory_space<hbm>>) dst(%arg6 : memref<1024xf32, #tpu.memory_space<vmem>>)
      tpu.yield
    }) : () -> ()
    %parallel_loop3A = arith.constant 0 : i32
    %parallel_loop3A_8 = arith.constant 64 : i32
    %parallel_loop3A_9 = arith.constant 1 : i32
    scf.for %parallel_loop3A_18 = %parallel_loop3A to %parallel_loop3A_8 step %parallel_loop3A_9  : i32 {
      %parallel_loop3A_19 = arith.constant 16 : i32
      %parallel_loop3A_20 = arith.muli %parallel_loop3A_18, %parallel_loop3A_19 : i32
      %parallel_loop3A_21 = arith.index_cast %parallel_loop3A_20 : i32 to index
      %parallel_loop3A_22 = tpu.vector_load %arg6[%parallel_loop3A_21] {strides = array<i32>} : memref<1024xf32, #tpu.memory_space<vmem>>, vector<16xf32>,
      %parallel_loop3A_23 = arith.constant 0.00999999977 : f32
      %parallel_loop3A_24 = vector.broadcast %parallel_loop3A_23 : f32 to vector<16xf32>
      %parallel_loop3A_25 = arith.mulf %parallel_loop3A_22, %parallel_loop3A_24 : vector<16xf32>
      %parallel_loop3A_26 = arith.index_cast %parallel_loop3A_20 : i32 to index
      %parallel_loop3A_27 = tpu.vector_load %arg6[%parallel_loop3A_26] {strides = array<i32>} : memref<1024xf32, #tpu.memory_space<vmem>>, vector<16xf32>,
      tpu.vector_store %arg6[%parallel_loop3A_26], %parallel_loop3A_25 {strides = array<i32>} : memref<1024xf32, #tpu.memory_space<vmem>>, vector<16xf32>,
    } {sc.loop_unroll_factor = 8 : i64, sc.parallel_access}
    %dma_wait3A = arith.constant 0 : i32
    %dma_wait3A_10 = arith.constant 0 : i32
    %dma_wait3A_11 = tpu.memref_slice %arg2[%mul3A_2, %dma_wait3A, %dma_wait3A_10] : memref<1024x2x128xf32, #tpu.memory_space<hbm>> -> memref<32x2x128xf32, #tpu.memory_space<hbm>>
    %dma_wait3A_12 = arith.constant 0 : i32
    %dma_wait3A_13 = arith.constant 0 : i32
    %dma_wait3A_14 = tpu.memref_slice %arg2[%mul3A_2, %dma_wait3A_12, %dma_wait3A_13] : memref<1024x2x128xf32, #tpu.memory_space<hbm>> -> memref<32x2x128xf32, #tpu.memory_space<hbm>>
    tpu.wait_dma2 semaphore(%arg7 : memref<!tpu.dma_semaphore, #tpu.memory_space<semaphore_mem>>) src(%dma_wait3A_14 : memref<32x2x128xf32, #tpu.memory_space<hbm>>) dst(%arg5 : memref<32x2x128xf32, #tpu.memory_space<vmem>>)
    %parallel_loop3A_15 = arith.constant 0 : i32
    %parallel_loop3A_16 = arith.constant 256 : i32
    %parallel_loop3A_17 = arith.constant 1 : i32
    scf.for %parallel_loop3A_18 = %parallel_loop3A_15 to %parallel_loop3A_16 step %parallel_loop3A_17  : i32 {
      %parallel_loop3A_19 = arith.constant 8 : i32
      %parallel_loop3A_20 = arith.divsi %parallel_loop3A_18, %parallel_loop3A_19 : i32
      %parallel_loop3A_21 = arith.constant 0 : i32
      %parallel_loop3A_22 = arith.cmpi sgt, %parallel_loop3A_18, %parallel_loop3A_21 : i32
      %parallel_loop3A_23 = arith.extui %parallel_loop3A_22 : i1 to i32
      %parallel_loop3A_24 = arith.constant 0 : i32
      %parallel_loop3A_25 = arith.cmpi slt, %parallel_loop3A_18, %parallel_loop3A_24 : i32
      %parallel_loop3A_26 = arith.extui %parallel_loop3A_25 : i1 to i32
      %parallel_loop3A_27 = arith.subi %parallel_loop3A_23, %parallel_loop3A_26 : i32
      %parallel_loop3A_28 = arith.constant 0 : i32
      %parallel_loop3A_29 = arith.cmpi sgt, %parallel_loop3A_19, %parallel_loop3A_28 : i32
      %parallel_loop3A_30 = arith.extui %parallel_loop3A_29 : i1 to i32
      %parallel_loop3A_31 = arith.constant 0 : i32
      %parallel_loop3A_32 = arith.cmpi slt, %parallel_loop3A_19, %parallel_loop3A_31 : i32
      %parallel_loop3A_33 = arith.extui %parallel_loop3A_32 : i1 to i32
      %parallel_loop3A_34 = arith.subi %parallel_loop3A_30, %parallel_loop3A_33 : i32
      %parallel_loop3A_35 = arith.cmpi ne, %parallel_loop3A_27, %parallel_loop3A_34 : i32
      %parallel_loop3A_36 = arith.remsi %parallel_loop3A_18, %parallel_loop3A_19 : i32
      %parallel_loop3A_37 = arith.constant 0 : i32
      %parallel_loop3A_38 = arith.cmpi ne, %parallel_loop3A_36, %parallel_loop3A_37 : i32
      %parallel_loop3A_39 = arith.andi %parallel_loop3A_35, %parallel_loop3A_38 : i1
      %parallel_loop3A_40 = arith.constant 1 : i32
      %parallel_loop3A_41 = arith.subi %parallel_loop3A_20, %parallel_loop3A_40 : i32
      %parallel_loop3A_42 = arith.select %parallel_loop3A_39, %parallel_loop3A_41, %parallel_loop3A_20 : i32
      %parallel_loop3A_43 = arith.constant 8 : i32
      %parallel_loop3A_44 = arith.constant 0 : i32
      %parallel_loop3A_45 = arith.cmpi eq, %parallel_loop3A_43, %parallel_loop3A_44 : i32
      %parallel_loop3A_46 = arith.constant 1 : i32
      %parallel_loop3A_47 = arith.select %parallel_loop3A_45, %parallel_loop3A_46, %parallel_loop3A_43 : i32
      %parallel_loop3A_48 = arith.remsi %parallel_loop3A_18, %parallel_loop3A_47 : i32
      %parallel_loop3A_49 = arith.constant 0 : i32
      %parallel_loop3A_50 = arith.cmpi ne, %parallel_loop3A_48, %parallel_loop3A_49 : i32
      %parallel_loop3A_51 = arith.constant 0 : i32
      %parallel_loop3A_52 = arith.cmpi slt, %parallel_loop3A_48, %parallel_loop3A_51 : i32
      %parallel_loop3A_53 = arith.constant 0 : i32
      %parallel_loop3A_54 = arith.cmpi slt, %parallel_loop3A_47, %parallel_loop3A_53 : i32
      %parallel_loop3A_55 = arith.xori %parallel_loop3A_52, %parallel_loop3A_54 : i1
      %parallel_loop3A_56 = arith.andi %parallel_loop3A_55, %parallel_loop3A_50 : i1
      %parallel_loop3A_57 = arith.addi %parallel_loop3A_48, %parallel_loop3A_47 : i32
      %parallel_loop3A_58 = arith.select %parallel_loop3A_56, %parallel_loop3A_57, %parallel_loop3A_48 : i32
      %parallel_loop3A_59 = arith.constant 16 : i32
      %parallel_loop3A_60 = arith.muli %parallel_loop3A_58, %parallel_loop3A_59 : i32
      %parallel_loop3A_61 = arith.constant 0 : i32
      %parallel_loop3A_62 = arith.index_cast %parallel_loop3A_42 : i32 to index
      %parallel_loop3A_63 = arith.index_cast %parallel_loop3A_61 : i32 to index
      %parallel_loop3A_64 = arith.index_cast %parallel_loop3A_60 : i32 to index
      %parallel_loop3A_65 = tpu.vector_load %arg5[%parallel_loop3A_62, %parallel_loop3A_63, %parallel_loop3A_64] {strides = array<i32>} : memref<32x2x128xf32, #tpu.memory_space<vmem>>, vector<16xf32>,
      %parallel_loop3A_66 = arith.constant 1.280000e+02 : f32
      %parallel_loop3A_67 = vector.broadcast %parallel_loop3A_66 : f32 to vector<16xf32>
      %parallel_loop3A_68 = arith.mulf %parallel_loop3A_65, %parallel_loop3A_67 : vector<16xf32>
      %parallel_loop3A_69 = arith.constant 5.125000e+02 : f32
      %parallel_loop3A_70 = vector.broadcast %parallel_loop3A_69 : f32 to vector<16xf32>
      %parallel_loop3A_71 = arith.addf %parallel_loop3A_68, %parallel_loop3A_70 : vector<16xf32>
      %parallel_loop3A_72 = arith.constant 5.000000e-01 : f32
      %parallel_loop3A_73 = vector.broadcast %parallel_loop3A_72 : f32 to vector<16xf32>
      %parallel_loop3A_74 = arith.maximumf %parallel_loop3A_71, %parallel_loop3A_73 : vector<16xf32>
      %parallel_loop3A_75 = arith.constant 1.023500e+03 : f32
      %parallel_loop3A_76 = vector.broadcast %parallel_loop3A_75 : f32 to vector<16xf32>
      %parallel_loop3A_77 = arith.minimumf %parallel_loop3A_74, %parallel_loop3A_76 : vector<16xf32>
      %parallel_loop3A_78 = arith.fptosi %parallel_loop3A_77 : vector<16xf32> to vector<16xi32>
      %parallel_loop3A_79 = arith.constant 1 : i32
      %parallel_loop3A_80 = arith.index_cast %parallel_loop3A_42 : i32 to index
      %parallel_loop3A_81 = arith.index_cast %parallel_loop3A_79 : i32 to index
      %parallel_loop3A_82 = arith.index_cast %parallel_loop3A_60 : i32 to index
      %parallel_loop3A_83 = tpu.vector_load %arg5[%parallel_loop3A_80, %parallel_loop3A_81, %parallel_loop3A_82] {strides = array<i32>} : memref<32x2x128xf32, #tpu.memory_space<vmem>>, vector<16xf32>,
      %parallel_loop3A_84 = tpu.vector_load_idx %arg6[%parallel_loop3A_78] : memref<1024xf32, #tpu.memory_space<vmem>>[vector<16xi32>], vector<16xf32>,
      %parallel_loop3A_85 = arith.addf %parallel_loop3A_83, %parallel_loop3A_84 : vector<16xf32>
      %parallel_loop3A_86 = arith.constant 1 : i32
      %parallel_loop3A_87 = arith.index_cast %parallel_loop3A_42 : i32 to index
      %parallel_loop3A_88 = arith.index_cast %parallel_loop3A_86 : i32 to index
      %parallel_loop3A_89 = arith.index_cast %parallel_loop3A_60 : i32 to index
      %parallel_loop3A_90 = tpu.vector_load %arg5[%parallel_loop3A_87, %parallel_loop3A_88, %parallel_loop3A_89] {strides = array<i32>} : memref<32x2x128xf32, #tpu.memory_space<vmem>>, vector<16xf32>,
      tpu.vector_store %arg5[%parallel_loop3A_87, %parallel_loop3A_88, %parallel_loop3A_89], %parallel_loop3A_85 {strides = array<i32>} : memref<32x2x128xf32, #tpu.memory_space<vmem>>, vector<16xf32>,
    } {sc.loop_unroll_factor = 16 : i64, sc.parallel_access}
    "tpu.region"() ({
      %run_scoped3A = tpu.sem_alloc : memref<!tpu.dma_semaphore, #tpu.memory_space<semaphore_mem>>
      %dma_start3A_18 = arith.constant 0 : i32
      %dma_start3A_19 = arith.constant 0 : i32
      %dma_start3A_20 = tpu.memref_slice %arg4[%mul3A_2, %dma_start3A_18, %dma_start3A_19] : memref<1024x2x128xf32, #tpu.memory_space<hbm>> -> memref<32x2x128xf32, #tpu.memory_space<hbm>>
      %dma_start3A_21 = arith.constant 0 : i32
      %dma_start3A_22 = arith.constant 0 : i32
      %dma_start3A_23 = tpu.memref_slice %arg4[%mul3A_2, %dma_start3A_21, %dma_start3A_22] : memref<1024x2x128xf32, #tpu.memory_space<hbm>> -> memref<32x2x128xf32, #tpu.memory_space<hbm>>
      tpu.enqueue_dma source(%arg5 : memref<32x2x128xf32, #tpu.memory_space<vmem>>) target(%dma_start3A_23 : memref<32x2x128xf32, #tpu.memory_space<hbm>>) target_semaphore(%run_scoped3A : memref<!tpu.dma_semaphore, #tpu.memory_space<semaphore_mem>>)
      %dma_wait3A_24 = arith.constant 0 : i32
      %dma_wait3A_25 = arith.constant 0 : i32
      %dma_wait3A_26 = tpu.memref_slice %arg4[%mul3A_2, %dma_wait3A_24, %dma_wait3A_25] : memref<1024x2x128xf32, #tpu.memory_space<hbm>> -> memref<32x2x128xf32, #tpu.memory_space<hbm>>
      %dma_wait3A_27 = arith.constant 0 : i32
      %dma_wait3A_28 = arith.constant 0 : i32
      %dma_wait3A_29 = tpu.memref_slice %arg4[%mul3A_2, %dma_wait3A_27, %dma_wait3A_28] : memref<1024x2x128xf32, #tpu.memory_space<hbm>> -> memref<32x2x128xf32, #tpu.memory_space<hbm>>
      tpu.wait_dma2 semaphore(%run_scoped3A : memref<!tpu.dma_semaphore, #tpu.memory_space<semaphore_mem>>) src(%arg5 : memref<32x2x128xf32, #tpu.memory_space<vmem>>) dst(%dma_wait3A_29 : memref<32x2x128xf32, #tpu.memory_space<hbm>>)
      tpu.yield
    }) : () -> ()
    return
  }
}

</mosaic_0001>

<sc_bundles>
// kernel: kernel.3.cloned.1.call-start
scs
__scs_entry_jumppad:
0x0: {  	(pc) =	sbr.rel $0x88, $3  }
0x1: {  	(tag) =	ssettag $0x0;
	lr =	simm.s32 $0x1  }
0x2: {  	[smem:$0x3F9F] =	sst lr;
	_ =	strace $0xD0000000  }
0x3: {  	_ = 	snop  }
0x4: {  	_ = 	snop  }
0x5: {  	_ = 	snop  }
0x6: {  	_ = 	snop  }
0x7: {  	_ = 	snop  }
__scs_overlays_trampoline_lowered:
0x8: {  	[smem:$0x3FAE] =	sst s0  }
0x9: {  	[smem:$0x3FAF] =	sst s1  }
0xa: {  	[smem:$0x3FB0] =	sst s2  }
0xb: {  	[smem:$0x3FB1] =	sst s3  }
0xc: {  	[smem:$0x3FB2] =	sst s4  }
0xd: {  	[smem:$0x3FB3] =	sst s5  }
0xe: {  	[smem:$0x3FB4] =	sst s6  }
0xf: {  	[smem:$0x3FB5] =	sst s7  }
0x10: {  	[smem:$0x3FB6] =	sst s8  }
0x11: {  	[smem:$0x3FB7] =	sst s9;
	s0 =	simm.s32 @!p0 $0x0  }
0x12: {  	s1 =	sld [smem:$0x3F9D];
	s0 =	simm.s32 @p0 $0x1  }
0x13: {  	[smem:$0x3FB8] =	sst s0;
	s0 =	simm.s32 @!p1 $0x0  }
0x14: {  	s2 =	sld [smem:$0x3F9C];
	s0 =	simm.s32 @p1 $0x1  }
0x15: {  	[smem:$0x3FB9] =	sst s0;
	s0 =	simm.s32 @!p2 $0x0  }
0x16: {  	s3 =	sld [smem:$0x3FDB];
	s0 =	simm.s32 @p2 $0x1  }
0x17: {  	s4 =	simm.s32 $0x1BF5;
	[smem:$0x3FBB] =	sst s0  }
0x18: {  	s0 =	sld [smem:$0x3F9E];
	_ =	swait.ge [sflag:s4], $0x0  }
0x19: {  	s7 =	sld [smem:$0x3F9F]  }
0x1a: {  	s8 =	sadd.s32 $0xFFFFE003, lr  }
0x1b: {  	s9 =	sadd.s32 $0xFFFFFEF7, lr;
	s5 =	simm.s32 $0xFFFFFFFF;
	p2 =	slt.u32 s8, $0xFFFFF086  }
0x1c: {  	p1 =	slt.u32 s9, $0xF7A;
	s5 =	simm.s32 @!p2 $0x0  }
0x1d: {  	s5 =	simm.s32 @p1 $0x1;
	p0 =	seq.s32 s7, s2  }
0x1e: {  	s7 =	smul.u32 @!p0 $0xF7A, s2;
	p2 =	seq.s32 @!p0 s5, $0x0  }
0x1f: {  	s9 =	smul.u32 $0xF7A, s1;
	s8 =	simm.s32 @!p0 $0x1BF5;
	p2 =	por !p2, p0  }
0x20: {  	[sflag:s8] =	ssyncset.s32 @!p0 $0xFFFFF086;
	s6 =	sadd.s32 @!p0 s3, s7;
	s7 =	simm.s32 @!p0 $0x108  }
0x21: {  	s3 =	sadd.s32 s3, s9;
	s6 =	sadd.s32 @!p0 $0x88, s6;
	s7 =	simm.s32 @p2 $0x1082  }
0x22: {  	[simem:s7], [sflag:s8] =	dma.local @!p0 [hbm:s6], $0xF7A  }
0x23: {  	s9 =	sor.u32 $0xD0000000, s2;
	s6 =	simm.s32 $0x108;
	_ =	swait.ge @!p0 [sflag:s8], $0x0  }
0x24: {  	s3 =	sadd.s32 $0x88, s3;
	s6 =	simm.s32 @!p1 $0x1082;
	[sflag:s4] =	ssyncset.s32 $0xFFFFF086  }
0x25: {  	[simem:s6], [sflag:s4] =	dma.local [hbm:s3], $0xF7A  }
0x26: {  	[smem:$0x3F9F] =	sst s1;
	(tag) =	ssettag s2;
	_ =	strace s9  }
0x27: {  	s1 =	sld [smem:$0x3FAF]  }
0x28: {  	s2 =	sld [smem:$0x3FB0]  }
0x29: {  	s4 =	sld [smem:$0x3FB2]  }
0x2a: {  	p0 =	seq.s32 s5, $0x0;
	s5 =	sld [smem:$0x3FB3]  }
0x2b: {  	s6 =	sld [smem:$0x3FB4]  }
0x2c: {  	s7 =	sld [smem:$0x3FB5]  }
0x2d: {  	s3 =	simm.s32 $0x108;
	s8 =	sld [smem:$0x3FB6]  }
0x2e: {  	s3 =	simm.s32 @!p0 $0x1082;
	s9 =	sld [smem:$0x3FB7]  }
0x2f: {  	lr =	sadd.s32 s0, s3;
	s0 =	sld [smem:$0x3FAE]  }
0x30: {  	s3 =	sld [smem:$0x3FB1]  }
0x31: {  	[smem:$0x3FBA] =	sst s10  }
0x32: {  	s10 =	sld [smem:$0x3FB8];
	_ =	sdelay $0x3  }
0x33: {  	p0 =	seq.s32 s10, $0x1;
	s10 =	sld [smem:$0x3FBA];
	_ =	sdelay $0x3  }
0x34: {  	[smem:$0x3FBA] =	sst s10  }
0x35: {  	s10 =	sld [smem:$0x3FB9];
	_ =	sdelay $0x3  }
0x36: {  	p1 =	seq.s32 s10, $0x1;
	s10 =	sld [smem:$0x3FBA];
	_ =	sdelay $0x3  }
0x37: {  	[smem:$0x3FBA] =	sst s10  }
0x38: {  	s10 =	sld [smem:$0x3FBB]  }
0x39: {  	_ = 	snop;
	(pc) =	sbr.ind lr, $3  }
0x3a: {  	_ = 	snop  }
0x3b: {  	_ = 	snop  }
0x3c: {  	p2 =	seq.s32 s10, $0x1;
	s10 =	sld [smem:$0x3FBA]  }
0x3d: {  	_ =	shalt  }
0x3e: {  	_ =	shalt  }
0x3f: {  	_ =	shalt  }
0x40: {  	_ =	shalt  }
0x41: {  	_ =	shalt  }
0x42: {  	_ =	shalt  }
0x43: {  	_ =	shalt  }
0x44: {  	_ =	shalt  }
0x45: {  	_ =	shalt  }
0x46: {  	_ =	shalt  }
0x47: {  	_ =	shalt  }
0x48: {  	_ =	shalt  }
0x49: {  	_ =	shalt  }
0x4a: {  	_ =	shalt  }
0x4b: {  	_ =	shalt  }
0x4c: {  	_ =	shalt  }
0x4d: {  	_ =	shalt  }
0x4e: {  	_ =	shalt  }
0x4f: {  	_ =	shalt  }
0x50: {  	_ =	shalt  }
0x51: {  	_ =	shalt  }
0x52: {  	_ =	shalt  }
0x53: {  	_ =	shalt  }
0x54: {  	_ =	shalt  }
0x55: {  	_ =	shalt  }
0x56: {  	_ =	shalt  }
0x57: {  	_ =	shalt  }
0x58: {  	_ =	shalt  }
0x59: {  	_ =	shalt  }
0x5a: {  	_ =	shalt  }
0x5b: {  	_ =	shalt  }
0x5c: {  	_ =	shalt  }
0x5d: {  	_ =	shalt  }
0x5e: {  	_ =	shalt  }
0x5f: {  	_ =	shalt  }
0x60: {  	_ =	shalt  }
0x61: {  	_ =	shalt  }
0x62: {  	_ =	shalt  }
0x63: {  	_ =	shalt  }
0x64: {  	_ =	shalt  }
0x65: {  	_ =	shalt  }
0x66: {  	_ =	shalt  }
0x67: {  	_ =	shalt  }
0x68: {  	_ =	shalt  }
0x69: {  	_ =	shalt  }
0x6a: {  	_ =	shalt  }
0x6b: {  	_ =	shalt  }
0x6c: {  	_ =	shalt  }
0x6d: {  	_ =	shalt  }
0x6e: {  	_ =	shalt  }
0x6f: {  	_ =	shalt  }
0x70: {  	_ =	shalt  }
0x71: {  	_ =	shalt  }
0x72: {  	_ =	shalt  }
0x73: {  	_ =	shalt  }
0x74: {  	_ =	shalt  }
0x75: {  	_ =	shalt  }
0x76: {  	_ =	shalt  }
0x77: {  	_ =	shalt  }
0x78: {  	_ =	shalt  }
0x79: {  	_ =	shalt  }
0x7a: {  	_ =	shalt  }
0x7b: {  	_ =	shalt  }
0x7c: {  	_ =	shalt  }
0x7d: {  	_ =	shalt  }
0x7e: {  	_ =	shalt  }
0x7f: {  	_ =	shalt  }
0x80: {  	_ =	shalt  }
0x81: {  	_ =	shalt  }
0x82: {  	_ =	shalt  }
0x83: {  	_ =	shalt  }
0x84: {  	_ =	shalt  }
0x85: {  	_ =	shalt  }
0x86: {  	_ =	shalt  }
0x87: {  	_ =	shalt  }
.Lfunc_end0:
.L_simem_size_0:
called_computation_lowered:
.L_overlay_start_0:
0x88: {  	s2 =	sld [smem:$0x3FD9]  }
0x89: {  	s3 =	sld [smem:$0x3FFE];
	_ =	sdelay $0x1  }
0x8a: {  	s1 =	srdreg.scid  }
0x8b: {  	s0 =	sand.u32 $0x1, s1  }
0x8c: {  	s18 =	sshll.u32 s0, $0xA;
	s2 =	sadd.s32 s3, s2  }
0x8d: {  	s2 =	sadd.s32 s2, s18  }
0x8e: {  	[smem:$0x3FC6] =	sst s2  }
0x8f: {  	_ = 	snop  }
0x90: {  	s2 =	sld [smem:$0x3FC9]  }
0x91: {  	s19 =	sld [smem:$0x3FC8]  }
0x92: {  	s4 =	sld [smem:$0x3FD0];
	(tm) =	ssettm $0x1  }
0x93: {  	s5 =	sld [smem:$0x3FFB];
	_ =	sdelay $0x3  }
0x94: {  	_ =	strace s5  }
0x95: {  	s5 =	sld [smem:$0x3FFC];
	_ =	sdelay $0x3  }
0x96: {  	_ =	strace s5  }
0x97: {  	s5 =	sld [smem:$0x3FFD];
	_ =	sdelay $0x3  }
0x98: {  	_ =	strace s5  }
0x99: {  	_ =	strace $0x8FFFFFFF  }
0x9a: {  	s20 =	sld [smem:$0x3FDB];
	_ =	sdelay $0x1  }
0x9b: {  	s6 =	simm.s32 $_scs_section_size  }
0x9c: {  	s7 =	simm.s32 $_size__tile_overlayer_lowered;
	s8 =	simm.s32 $_tile_overlayer_lowered  }
0x9d: {  	s23 =	simm.s32 $0x1BFF;
	s22 =	sshll.u32 s8, $0x1;
	s5 =	sadd.s32 s6, s20  }
0x9e: {  	s9 =	simm.s32 $0x0;
	s21 =	sshll.u32 s7, $0x1;
	s7 =	sadd.s32 s22, s5  }
0x9f: {  	[timem:s9], [sflag:s23] =	dma.local [hbm:s7], s21  }
0xa0: {  	_ =	swait.ge [sflag:s23], s21  }
0xa1: {  	s6 =	ssub.s32 $0x0, s21;
	[sflag:s23] =	ssyncset.done $0x0  }
0xa2: {  	[sflag:s23] =	ssyncadd.s32 s6;
	_ =	sdelay $0x1  }
0xa3: {  	s24 =	simm.s32 $0x1B8B  }
0xa4: {  	_ =	swait.ge [sflag:s24], $0x1  }
0xa5: {  	[sflag:s24] =	ssyncset.done $0x0  }
0xa6: {  	s25 =	simm.s32 $0x1B8E;
	[sflag:s24] =	ssyncadd.s32 $0xFFFFFFFF  }
0xa7: {  	s26 =	simm.s32 $execute0_lowered;
	[smem:$0x3FD2] =	sst s25  }
0xa8: {  	s6 =	sshll.u32 s26, $0x1;
	_ =	strace $0x80000046;
	[dreg:$0x1] =	wrdreg $0xFFFFFFFF  }
0xa9: {  	s28 =	simm.s32 $_size_execute0_lowered;
	s5 =	sadd.s32 s5, s6;
	[dreg:$0x0] =	wrdreg $0x0  }
0xaa: {  	s6 =	sshll.u32 s28, $0x1;
	[dreg:$0x2] =	wrdreg s5  }
0xab: {  	[dreg:$0x3] =	wrdreg s6  }
0xac: {  	[dreg:$0x4] =	wrdreg $0xC0  }
0xad: {  	_ =	task [dreg:s9], $0x5FFFF  }
0xae: {  	[dreg:$0x1] =	wrdreg $0xFFFFFFFF  }
0xaf: {  	[dreg:$0x0] =	wrdreg $0x60  }
0xb0: {  	[dreg:$0x2] =	wrdreg s2  }
0xb1: {  	[dreg:$0x3] =	wrdreg s19  }
0xb2: {  	[dreg:$0x4] =	wrdreg s4  }
0xb3: {  	[dreg:$0x5] =	wrdreg $0x9  }
0xb4: {  	_ =	task.clear_ibuf [dreg:s9], $0x6FFFF;
	_ =	strace $0x90000046  }
0xb5: {  	s29 =	simm.s32 $0x9;
	_ =	strace $0x80000048  }
0xb6: {  	_ =	swait.ge [sflag:s29], $0x1  }
0xb7: {  	[sflag:s29] =	ssyncadd.s32 $0xFFFFFFFF  }
0xb8: {  	_ =	strace $0x90000048  }
0xb9: {  	_ =	sfence  }
0xba: {  	s30 =	sld [smem:$0x0];
	_ =	sdelay $0x2  }
0xbb: {  	s31 =	sshll.u32 s1, $0xD;
	s1 =	sshrl.u32 s1, $0x2  }
0xbc: {  	s3 =	sand.u32 $0x4000, s31;
	s1 =	sadd.s32 s1, s30  }
0xbd: {  	s0 =	sor.u32 s3, s0;
	s1 =	sshll.u32 s1, $0x11  }
0xbe: {  	s0 =	sor.u32 s1, s0  }
0xbf: {  	s0 =	sadd.s32 $0x8F2B, s0  }
0xc0: {  	[sflag:s0] =	ssyncadd.remote.s32 $0x1  }
0xc1: {  	_ =	sfence.sel $0xFFFF  }
0xc2: {  	[dreg:$0x0] =	wrdreg $0xFFFFFFFF;
	(pc) =	sbr.abs _section_cstart, $3  }
0xc3: {  	[dreg:$0x1] =	wrdreg $0xFFFFFFFF  }
0xc4: {  	_ =	task.clear_ibuf [dreg:s9], $0x2FFFF;
	_ =	strace $0x9FFFFFFF  }
0xc5: {  	(tm) =	ssettm $0x7FFFFFFF  }
tec
execute0_lowered:
.L_overlay_start_1:
0x0: {  	(tag) =	ssettag $0x1  }
0x1: {  	s4 =	rddreg [dreg:$0x0]  }
0x2: {  	s1 =	rddreg [dreg:$0x1]  }
0x3: {  	s5 =	rddreg [dreg:$0x2]  }
0x4: {  	s0 =	rddreg [dreg:$0x3];
	s6 =	srdreg.scid  }
0x5: {  	s3 =	simm.s32 $0x0;
	s2 =	stileid.u32;
	s10 =	simm.s32 $0x0  }
0x6: {  	s6 =	sand.u32 $0x1, s6;
	s8 =	sshll.u32 s2, $0xB;
	[smem:$0x7FF] =	sst s3  }
0x7: {  	s7 =	ssub.s32 $0x2, s6;
	s6 =	sshll.u32 s6, $0xA;
	_ =	strace $0x80000047  }
0x8: {  	s9 =	sshrl.u32 s7, $0x1;
	s6 =	sor.u32 s6, s8;
	s8 =	simm.s32 $0x2  }
0x9: {  	s7 =	ssub.s32 s7, s9;
	s4 =	sadd.s32 s4, s6;
	s5 =	sadd.s32 s5, s6  }
0xa: {  	s9 =	simm.s32 $0x1;
	s6 =	smax.u32 s7, $0x1;
	s7 =	simm.s32 $0x2000  }
.LBB2_1:
0xb: {  	[tilespmem:s3], [sflag:$0x1] =	stream.linear.gather [hbm4b:s4+s3], $0x2000, $0x38;
	[tilespmem:$0x2400] =	vst v63  }
0xc: {  	_ = 	snop  }
0xd: {  	[tilespmem:s7], [sflag:$0x2] =	stream.linear.gather [hbm4b:s1+s3], $0x400, $0x38;
	[tilespmem:$0x2400] =	vst v63  }
0xe: {  	_ =	swait.ge [sflag:s8], $0x400  }
0xf: {  	[sflag:s8] =	ssyncset.done $0x0  }
0x10: {  	s11 =	simm.s32 $0x2040;
	[sflag:s8] =	ssyncadd.s32 $0xFFFFFC00  }
0x11: {  	v2 =	vld [tilespmem:s11+$0x30]  }
0x12: {  	v4 =	vld [tilespmem:s11+$0xFFFFFFD0]  }
0x13: {  	v6 =	vld [tilespmem:s11+$0xFFFFFFE0]  }
0x14: {  	v3 =	vld [tilespmem:s11+$0xFFFFFFF0]  }
0x15: {  	v1 =	vld [tilespmem:s11+$0x0]  }
0x16: {  	v0 =	vld [tilespmem:s11+$0x10];
	v7 =	vmul.f32 $9.999999770e-03, v2  }
0x17: {  	v2 =	vld [tilespmem:s11+$0x20];
	v5 =	vmul.f32 $9.999999770e-03, v4  }
0x18: {  	s12 =	simm.s32 $0x0;
	s13 =	simm.s32 $0x20C0;
	v4 =	vld [tilespmem:s11+$0xFFFFFFC0];
	v6 =	vmul.f32 $9.999999770e-03, v6;
	[tilespmem:s11+$0x30] =	vst v7  }
.LBB2_2:
0x19: {  	v7 =	vld [tilespmem:s13+$0x30];
	s12 =	sadd.s32 $0x8, s12;
	[tilespmem:s11+$0xFFFFFFD0] =	vst v5;
	v3 =	vmul.f32 $9.999999770e-03, v3  }
0x1a: {  	v5 =	vld [tilespmem:s13+$0xFFFFFFD0];
	p0 =	slt.u32 s12, $0x38;
	[tilespmem:s11+$0xFFFFFFE0] =	vst v6;
	v1 =	vmul.f32 $9.999999770e-03, v1  }
0x1b: {  	v6 =	vld [tilespmem:s13+$0xFFFFFFE0];
	[tilespmem:s11+$0xFFFFFFF0] =	vst v3;
	v0 =	vmul.f32 $9.999999770e-03, v0  }
.Ltmp0:
0x1c: {  	v3 =	vld [tilespmem:s13+$0xFFFFFFF0];
	[tilespmem:s11+$0x0] =	vst v1;
	v2 =	vmul.f32 $9.999999770e-03, v2;
	(pc) =	sbr.rel @p0 .LBB2_2-.Ltmp0, $4  }
0x1d: {  	v1 =	vld [tilespmem:s13+$0x0];
	v4 =	vmul.f32 $9.999999770e-03, v4;
	[tilespmem:s11+$0x10] =	vst v0  }
0x1e: {  	v0 =	vld [tilespmem:s13+$0x10];
	v7 =	vmul.f32 $9.999999770e-03, v7;
	[tilespmem:s11+$0x20] =	vst v2  }
0x1f: {  	v5 =	vmul.f32 $9.999999770e-03, v5;
	v2 =	vld [tilespmem:s13+$0x20];
	[tilespmem:s11+$0xFFFFFFC0] =	vst v4;
	s11 =	smov.u32 s13  }
0x20: {  	s13 =	sadd.s32 $0x80, s13;
	v4 =	vld [tilespmem:s11+$0xFFFFFFC0];
	v6 =	vmul.f32 $9.999999770e-03, v6;
	[tilespmem:s11+$0x30] =	vst v7  }
0x21: {  	[tilespmem:s11+$0xFFFFFFD0] =	vst v5;
	v3 =	vmul.f32 $9.999999770e-03, v3  }
0x22: {  	[tilespmem:s11+$0xFFFFFFE0] =	vst v6;
	v1 =	vmul.f32 $9.999999770e-03, v1  }
0x23: {  	[tilespmem:s11+$0xFFFFFFF0] =	vst v3;
	v0 =	vmul.f32 $9.999999770e-03, v0  }
0x24: {  	[tilespmem:s11+$0x0] =	vst v1;
	v1 =	vmul.f32 $9.999999770e-03, v2  }
0x25: {  	v2 =	vmul.f32 $9.999999770e-03, v4;
	[tilespmem:s11+$0x10] =	vst v0  }
0x26: {  	[tilespmem:s11+$0x20] =	vst v1  }
0x27: {  	[tilespmem:s11+$0xFFFFFFC0] =	vst v2  }
0x28: {  	_ =	swait.ge [sflag:s9], $0x2000  }
0x29: {  	[sflag:s9] =	ssyncset.done $0x0  }
0x2a: {  	s11 =	simm.s32 $0x100;
	[sflag:s9] =	ssyncadd.s32 $0xFFFFE000  }
0x2b: {  	v0 =	vld [tilespmem:s11+$0x70]  }
0x2c: {  	v1 =	vld [tilespmem:s11+$0xFFFFFF10]  }
0x2d: {  	v2 =	vld [tilespmem:s11+$0xFFFFFF20]  }
0x2e: {  	v3 =	vld [tilespmem:s11+$0xFFFFFF30]  }
0x2f: {  	v4 =	vld [tilespmem:s11+$0xFFFFFF40]  }
0x30: {  	v5 =	vld [tilespmem:s11+$0xFFFFFF50]  }
0x31: {  	v6 =	vld [tilespmem:s11+$0xFFFFFF60]  }
0x32: {  	v7 =	vld [tilespmem:s11+$0xFFFFFF70]  }
0x33: {  	v8 =	vld [tilespmem:s11+$0x0]  }
0x34: {  	v9 =	vld [tilespmem:s11+$0x10]  }
0x35: {  	v10 =	vld [tilespmem:s11+$0x20];
	v0 =	vmul.f32 $1.280000000e+02, v0;
	v1 =	vmul.f32 $1.280000000e+02, v1  }
0x36: {  	v11 =	vld [tilespmem:s11+$0x30];
	v2 =	vmul.f32 $1.280000000e+02, v2;
	v3 =	vmul.f32 $1.280000000e+02, v3  }
0x37: {  	v4 =	vmul.f32 $1.280000000e+02, v4;
	v5 =	vmul.f32 $1.280000000e+02, v5  }
0x38: {  	v6 =	vmul.f32 $1.280000000e+02, v6;
	v7 =	vmul.f32 $1.280000000e+02, v7  }
0x39: {  	v12 =	vld [tilespmem:s11+$0x40];
	v8 =	vmul.f32 $1.280000000e+02, v8;
	v9 =	vmul.f32 $1.280000000e+02, v9;
	v0 =	vadd.f32 $5.125000000e+02, v0  }
0x3a: {  	v10 =	vmul.f32 $1.280000000e+02, v10;
	v1 =	vadd.f32 $5.125000000e+02, v1;
	v2 =	vadd.f32 $5.125000000e+02, v2  }
0x3b: {  	v11 =	vmul.f32 $1.280000000e+02, v11;
	v3 =	vadd.f32 $5.125000000e+02, v3;
	v4 =	vadd.f32 $5.125000000e+02, v4  }
0x3c: {  	v5 =	vadd.f32 $5.125000000e+02, v5;
	v6 =	vadd.f32 $5.125000000e+02, v6;
	v0 =	vmax.f32 v0, $5.000000000e-01  }
0x3d: {  	v7 =	vadd.f32 $5.125000000e+02, v7;
	v8 =	vadd.f32 $5.125000000e+02, v8;
	v0 =	vmin.f32 v0, $1.023500000e+03  }
0x3e: {  	v13 =	vld [tilespmem:s11+$0x50];
	v16 =	vadd.f32 $5.125000000e+02, v9;
	v9 =	vmul.f32 $1.280000000e+02, v12;
	v0 =	vtrunc.f32 v0  }
0x3f: {  	v14 =	vld [tilespmem:s11+$0x60];
	v10 =	vadd.f32 $5.125000000e+02, v10;
	v11 =	vadd.f32 $5.125000000e+02, v11;
	v0 =	vcvt.f32.s32 v0  }
0x40: {  	v15 =	vld [tilespmem:s11+$0xFFFFFF00];
	v1 =	vmax.f32 v1, $5.000000000e-01;
	v2 =	vmax.f32 v2, $5.000000000e-01;
	v3 =	vmax.f32 v3, $5.000000000e-01  }
0x41: {  	v18 =	vld [tilespmem:s11+$0xF0];
	v4 =	vmax.f32 v4, $5.000000000e-01;
	v5 =	vmax.f32 v5, $5.000000000e-01;
	v6 =	vmax.f32 v6, $5.000000000e-01  }
0x42: {  	v12 =	vadd.f32 $5.125000000e+02, v9;
	v9 =	vld [tilespmem:s11+$0xFFFFFF80];
	v19 =	vmax.f32 v11, $5.000000000e-01;
	v1 =	vmin.f32 v1, $1.023500000e+03  }
0x43: {  	v11 =	vld [tilespmem:s11+$0xFFFFFFA0];
	v2 =	vmin.f32 v2, $1.023500000e+03;
	v3 =	vmin.f32 v3, $1.023500000e+03;
	v24 =	vtrunc.f32 v1  }
0x44: {  	v20 =	vmax.f32 v12, $5.000000000e-01;
	v12 =	vld [tilespmem:s11+$0xFFFFFFB0];
	v25 =	vtrunc.f32 v2;
	v26 =	vtrunc.f32 v3  }
0x45: {  	v8 =	vmax.f32 v8, $5.000000000e-01;
	v24 =	vcvt.f32.s32 v24;
	v17 =	vld.idx.msk [tilespmem:v0+s7+$0x0], $0xffff;
	v0 =	vmul.f32 $1.280000000e+02, v13  }
0x46: {  	v5 =	vmin.f32 v5, $1.023500000e+03;
	v1 =	vld [tilespmem:s11+$0xFFFFFFF0];
	v13 =	vmul.f32 $1.280000000e+02, v14;
	v14 =	vmul.f32 $1.280000000e+02, v15  }
0x47: {  	v4 =	vmin.f32 v4, $1.023500000e+03;
	v28 =	vtrunc.f32 v5;
	v2 =	vld [tilespmem:s11+$0x80];
	v30 =	vcvt.f32.s32 v26  }
0x48: {  	v3 =	vld [tilespmem:s11+$0x90];
	v34 =	vcvt.f32.s32 v28;
	v0 =	vadd.f32 $5.125000000e+02, v0;
	v14 =	vadd.f32 $5.125000000e+02, v14  }
0x49: {  	v27 =	vtrunc.f32 v4;
	v5 =	vmin.f32 v8, $1.023500000e+03;
	v4 =	vld [tilespmem:s11+$0xA0];
	v8 =	vmin.f32 v19, $1.023500000e+03  }
0x4a: {  	v33 =	vtrunc.f32 v8;
	v8 =	vld [tilespmem:s11+$0xE0];
	v21 =	vmax.f32 v0, $5.000000000e-01;
	v0 =	vmax.f32 v14, $5.000000000e-01  }
0x4b: {  	v15 =	vmax.f32 v16, $5.000000000e-01;
	v16 =	vmax.f32 v10, $5.000000000e-01;
	v10 =	vld [tilespmem:s11+$0xFFFFFF90];
	v0 =	vmin.f32 v0, $1.023500000e+03  }
0x4c: {  	v7 =	vmax.f32 v7, $5.000000000e-01;
	v6 =	vmin.f32 v6, $1.023500000e+03;
	v28 =	vld.idx.msk [tilespmem:v24+s7+$0x0], $0xffff;
	v23 =	vtrunc.f32 v0  }
0x4d: {  	v7 =	vmin.f32 v7, $1.023500000e+03;
	v32 =	vcvt.f32.s32 v27;
	v27 =	vld.idx.msk [tilespmem:v30+s7+$0x0], $0xffff;
	v23 =	vcvt.f32.s32 v23  }
0x4e: {  	v29 =	vtrunc.f32 v6;
	v25 =	vcvt.f32.s32 v25;
	v24 =	vld.idx.msk [tilespmem:v34+s7+$0x0], $0xffff;
	v6 =	vmin.f32 v15, $1.023500000e+03  }
0x4f: {  	v15 =	vtrunc.f32 v7;
	v7 =	vmin.f32 v16, $1.023500000e+03;
	v16 =	vtrunc.f32 v5;
	v5 =	vld [tilespmem:s11+$0xB0]  }
0x50: {  	v20 =	vmin.f32 v20, $1.023500000e+03;
	v13 =	vadd.f32 $5.125000000e+02, v13;
	v19 =	vtrunc.f32 v6;
	v6 =	vld [tilespmem:s11+$0xC0]  }
0x51: {  	v35 =	vtrunc.f32 v20;
	v31 =	vtrunc.f32 v7;
	v7 =	vld [tilespmem:s11+$0xD0]  }
0x52: {  	v20 =	vcvt.f32.s32 v16;
	v22 =	vmax.f32 v13, $5.000000000e-01;
	v13 =	vld [tilespmem:s11+$0xFFFFFFC0];
	v21 =	vmin.f32 v21, $1.023500000e+03  }
0x53: {  	v16 =	vcvt.f32.s32 v35;
	v22 =	vmin.f32 v22, $1.023500000e+03;
	v36 =	vtrunc.f32 v21;
	v26 =	vld.idx.msk [tilespmem:v23+s7+$0x0], $0xffff  }
0x54: {  	v14 =	vld [tilespmem:s11+$0xFFFFFFD0];
	v37 =	vtrunc.f32 v22;
	v22 =	vcvt.f32.s32 v15  }
0x55: {  	v15 =	vadd.f32 v17, v18;
	v21 =	vcvt.f32.s32 v19;
	v23 =	vcvt.f32.s32 v29;
	v29 =	vld.idx.msk [tilespmem:v25+s7+$0x0], $0xffff  }
0x56: {  	v0 =	vld [tilespmem:s11+$0xFFFFFFE0];
	v19 =	vcvt.f32.s32 v31;
	v18 =	vcvt.f32.s32 v33  }
0x57: {  	s12 =	simm.s32 $0x0;
	s13 =	simm.s32 $0x300;
	v17 =	vcvt.f32.s32 v36;
	[tilespmem:s11+$0xF0] =	vst v15;
	v15 =	vcvt.f32.s32 v37;
	v25 =	vld.idx.msk [tilespmem:v32+s7+$0x0], $0xffff  }
.LBB2_4:
0x58: {  	v30 =	vld [tilespmem:s13+$0x70];
	s12 =	sadd.s32 $0x10, s12;
	v9 =	vadd.f32 v26, v9  }
0x59: {  	v10 =	vadd.f32 v28, v10;
	v26 =	vld [tilespmem:s13+$0xFFFFFF10];
	p0 =	slt.u32 s12, $0xF0  }
0x5a: {  	v28 =	vld [tilespmem:s13+$0xFFFFFF20];
	[tilespmem:s11+$0xFFFFFF80] =	vst v9;
	v9 =	vadd.f32 v29, v11  }
0x5b: {  	v11 =	vld [tilespmem:s13+$0xFFFFFF30];
	[tilespmem:s11+$0xFFFFFF90] =	vst v10;
	v10 =	vadd.f32 v27, v12  }
0x5c: {  	v12 =	vld [tilespmem:s13+$0xFFFFFF40];
	[tilespmem:s11+$0xFFFFFFA0] =	vst v9;
	v9 =	vadd.f32 v25, v13  }
0x5d: {  	v13 =	vld [tilespmem:s13+$0xFFFFFF50];
	v25 =	vmul.f32 $1.280000000e+02, v30;
	[tilespmem:s11+$0xFFFFFFB0] =	vst v10;
	v10 =	vadd.f32 v24, v14  }
0x5e: {  	v14 =	vmul.f32 $1.280000000e+02, v26;
	v24 =	vld [tilespmem:s13+$0xFFFFFF60];
	[tilespmem:s11+$0xFFFFFFC0] =	vst v9  }
0x5f: {  	v9 =	vmul.f32 $1.280000000e+02, v28;
	v26 =	vld [tilespmem:s13+$0xFFFFFF70];
	v25 =	vadd.f32 $5.125000000e+02, v25;
	[tilespmem:s11+$0xFFFFFFD0] =	vst v10  }
0x60: {  	v10 =	vadd.f32 $5.125000000e+02, v14;
	v11 =	vmul.f32 $1.280000000e+02, v11;
	v14 =	vld [tilespmem:s13+$0x0]  }
0x61: {  	v9 =	vadd.f32 $5.125000000e+02, v9;
	v12 =	vmul.f32 $1.280000000e+02, v12;
	v27 =	vld [tilespmem:s13+$0x10];
	v25 =	vmax.f32 v25, $5.000000000e-01  }
0x62: {  	v11 =	vadd.f32 $5.125000000e+02, v11;
	v13 =	vmul.f32 $1.280000000e+02, v13;
	v28 =	vld [tilespmem:s13+$0x20];
	v25 =	vmin.f32 v25, $1.023500000e+03  }
0x63: {  	v12 =	vadd.f32 $5.125000000e+02, v12;
	v24 =	vmul.f32 $1.280000000e+02, v24;
	v29 =	vld [tilespmem:s13+$0x30];
	v25 =	vtrunc.f32 v25  }
0x64: {  	v13 =	vadd.f32 $5.125000000e+02, v13;
	v26 =	vmul.f32 $1.280000000e+02, v26;
	v30 =	vld [tilespmem:s13+$0x40];
	v25 =	vcvt.f32.s32 v25  }
0x65: {  	v10 =	vmax.f32 v10, $5.000000000e-01;
	v24 =	vadd.f32 $5.125000000e+02, v24;
	v14 =	vmul.f32 $1.280000000e+02, v14;
	v31 =	vld [tilespmem:s13+$0x50]  }
0x66: {  	v9 =	vmax.f32 v9, $5.000000000e-01;
	v26 =	vadd.f32 $5.125000000e+02, v26;
	v27 =	vmul.f32 $1.280000000e+02, v27;
	v32 =	vld [tilespmem:s13+$0x60]  }
0x67: {  	v11 =	vmax.f32 v11, $5.000000000e-01;
	v33 =	vld [tilespmem:s13+$0xFFFFFF00];
	v14 =	vadd.f32 $5.125000000e+02, v14;
	v28 =	vmul.f32 $1.280000000e+02, v28  }
0x68: {  	v12 =	vmax.f32 v12, $5.000000000e-01;
	v27 =	vadd.f32 $5.125000000e+02, v27;
	v29 =	vmul.f32 $1.280000000e+02, v29;
	v23 =	vld.idx.msk [tilespmem:v23+s7+$0x0], $0xffff  }
0x69: {  	v13 =	vmax.f32 v13, $5.000000000e-01;
	v28 =	vadd.f32 $5.125000000e+02, v28;
	v30 =	vmul.f32 $1.280000000e+02, v30;
	v22 =	vld.idx.msk [tilespmem:v22+s7+$0x0], $0xffff  }
0x6a: {  	v24 =	vmax.f32 v24, $5.000000000e-01;
	v29 =	vadd.f32 $5.125000000e+02, v29;
	v31 =	vmul.f32 $1.280000000e+02, v31;
	v25 =	vld.idx.msk [tilespmem:v25+s7+$0x0], $0xffff  }
0x6b: {  	v26 =	vmax.f32 v26, $5.000000000e-01;
	v30 =	vadd.f32 $5.125000000e+02, v30;
	v32 =	vmul.f32 $1.280000000e+02, v32;
	v34 =	vld [tilespmem:s13+$0xF0]  }
0x6c: {  	v14 =	vmax.f32 v14, $5.000000000e-01;
	v33 =	vmul.f32 $1.280000000e+02, v33;
	v31 =	vadd.f32 $5.125000000e+02, v31;
	v20 =	vld.idx.msk [tilespmem:v20+s7+$0x0], $0xffff  }
0x6d: {  	v27 =	vmax.f32 v27, $5.000000000e-01;
	v28 =	vmax.f32 v28, $5.000000000e-01;
	v32 =	vadd.f32 $5.125000000e+02, v32;
	v21 =	vld.idx.msk [tilespmem:v21+s7+$0x0], $0xffff  }
0x6e: {  	v29 =	vmax.f32 v29, $5.000000000e-01;
	v30 =	vmax.f32 v30, $5.000000000e-01;
	v33 =	vadd.f32 $5.125000000e+02, v33;
	v19 =	vld.idx.msk [tilespmem:v19+s7+$0x0], $0xffff  }
0x6f: {  	v35 =	vmin.f32 v10, $1.023500000e+03;
	v31 =	vmax.f32 v31, $5.000000000e-01;
	v32 =	vmax.f32 v32, $5.000000000e-01;
	v18 =	vld.idx.msk [tilespmem:v18+s7+$0x0], $0xffff  }
0x70: {  	v10 =	vmax.f32 v33, $5.000000000e-01;
	v33 =	vmin.f32 v9, $1.023500000e+03;
	v9 =	vadd.f32 v25, v34;
	v16 =	vld.idx.msk [tilespmem:v16+s7+$0x0], $0xffff  }
0x71: {  	v36 =	vmin.f32 v12, $1.023500000e+03;
	v34 =	vmin.f32 v11, $1.023500000e+03;
	v25 =	vmin.f32 v10, $1.023500000e+03;
	v17 =	vld.idx.msk [tilespmem:v17+s7+$0x0], $0xffff  }
0x72: {  	v37 =	vmin.f32 v13, $1.023500000e+03;
	v24 =	vmin.f32 v24, $1.023500000e+03;
	v26 =	vmin.f32 v26, $1.023500000e+03;
	[tilespmem:s13+$0xF0] =	vst v9;
	v15 =	vld.idx.msk [tilespmem:v15+s7+$0x0], $0xffff  }
0x73: {  	v38 =	vmin.f32 v14, $1.023500000e+03;
	v27 =	vmin.f32 v27, $1.023500000e+03;
	v28 =	vmin.f32 v28, $1.023500000e+03;
	v9 =	vld [tilespmem:s13+$0xFFFFFF80]  }
0x74: {  	v29 =	vmin.f32 v29, $1.023500000e+03;
	v30 =	vmin.f32 v30, $1.023500000e+03;
	v31 =	vmin.f32 v31, $1.023500000e+03;
	v10 =	vld [tilespmem:s13+$0xFFFFFF90]  }
0x75: {  	v35 =	vtrunc.f32 v35;
	v32 =	vmin.f32 v32, $1.023500000e+03;
	v25 =	vtrunc.f32 v25;
	v11 =	vld [tilespmem:s13+$0xFFFFFFA0]  }
0x76: {  	v0 =	vadd.f32 v23, v0;
	v33 =	vtrunc.f32 v33;
	v34 =	vtrunc.f32 v34;
	v12 =	vld [tilespmem:s13+$0xFFFFFFB0]  }
0x77: {  	v23 =	vtrunc.f32 v36;
	v36 =	vtrunc.f32 v37;
	v1 =	vadd.f32 v22, v1;
	v13 =	vld [tilespmem:s13+$0xFFFFFFC0]  }
0x78: {  	v22 =	vtrunc.f32 v24;
	v24 =	vtrunc.f32 v26;
	v2 =	vadd.f32 v20, v2;
	v14 =	vld [tilespmem:s13+$0xFFFFFFD0];
	[tilespmem:s11+$0xFFFFFFE0] =	vst v0  }
0x79: {  	v26 =	vtrunc.f32 v27;
	v20 =	vtrunc.f32 v38;
	v3 =	vadd.f32 v21, v3;
	v0 =	vld [tilespmem:s13+$0xFFFFFFE0];
	[tilespmem:s11+$0xFFFFFFF0] =	vst v1  }
0x7a: {  	v27 =	vtrunc.f32 v28;
	v28 =	vtrunc.f32 v29;
	v4 =	vadd.f32 v19, v4;
	v1 =	vld [tilespmem:s13+$0xFFFFFFF0];
	[tilespmem:s11+$0x80] =	vst v2  }
0x7b: {  	v29 =	vtrunc.f32 v30;
	v30 =	vtrunc.f32 v31;
	v5 =	vadd.f32 v18, v5;
	v2 =	vld [tilespmem:s13+$0x80];
	[tilespmem:s11+$0x90] =	vst v3  }
0x7c: {  	v18 =	vcvt.f32.s32 v25;
	v25 =	vtrunc.f32 v32;
	v6 =	vadd.f32 v16, v6;
	v3 =	vld [tilespmem:s13+$0x90];
	[tilespmem:s11+$0xA0] =	vst v4  }
0x7d: {  	v31 =	vcvt.f32.s32 v35;
	v32 =	vcvt.f32.s32 v33;
	v7 =	vadd.f32 v17, v7;
	v4 =	vld [tilespmem:s13+$0xA0];
	[tilespmem:s11+$0xB0] =	vst v5  }
0x7e: {  	v33 =	vcvt.f32.s32 v34;
	v34 =	vcvt.f32.s32 v23;
	v8 =	vadd.f32 v15, v8;
	v5 =	vld [tilespmem:s13+$0xB0];
	[tilespmem:s11+$0xC0] =	vst v6  }
0x7f: {  	v35 =	vcvt.f32.s32 v36;
	v23 =	vcvt.f32.s32 v22;
	v6 =	vld [tilespmem:s13+$0xC0];
	[tilespmem:s11+$0xD0] =	vst v7  }
0x80: {  	v20 =	vcvt.f32.s32 v20;
	v22 =	vcvt.f32.s32 v24;
	v7 =	vld [tilespmem:s13+$0xD0];
	[tilespmem:s11+$0xE0] =	vst v8;
	s11 =	smov.u32 s13  }
0x81: {  	v21 =	vcvt.f32.s32 v26;
	v19 =	vcvt.f32.s32 v27;
	v8 =	vld [tilespmem:s13+$0xE0]  }
0x82: {  	v16 =	vcvt.f32.s32 v29;
	v26 =	vld.idx.msk [tilespmem:v18+s7+$0x0], $0xffff;
	v18 =	vcvt.f32.s32 v28  }
.Ltmp1:
0x83: {  	v17 =	vcvt.f32.s32 v30;
	v15 =	vcvt.f32.s32 v25;
	v28 =	vld.idx.msk [tilespmem:v31+s7+$0x0], $0xffff;
	(pc) =	sbr.rel @p0 .LBB2_4-.Ltmp1, $4  }
0x84: {  	v29 =	vld.idx.msk [tilespmem:v32+s7+$0x0], $0xffff  }
0x85: {  	v27 =	vld.idx.msk [tilespmem:v33+s7+$0x0], $0xffff  }
0x86: {  	v25 =	vld.idx.msk [tilespmem:v34+s7+$0x0], $0xffff  }
0x87: {  	s13 =	sadd.s32 $0x200, s13;
	v24 =	vld.idx.msk [tilespmem:v35+s7+$0x0], $0xffff  }
0x88: {  	_ =	sdelay $0x2  }
0x89: {  	v9 =	vadd.f32 v26, v9  }
0x8a: {  	v10 =	vadd.f32 v28, v10;
	v23 =	vld.idx.msk [tilespmem:v23+s7+$0x0], $0xffff  }
0x8b: {  	v46 =	vld.idx.msk [tilespmem:v22+s7+$0x0], $0xffff;
	v45 =	vadd.f32 v29, v11;
	[tilespmem:s11+$0xFFFFFF80] =	vst v9  }
0x8c: {  	v48 =	vld.idx.msk [tilespmem:v20+s7+$0x0], $0xffff;
	[tilespmem:s11+$0xFFFFFF90] =	vst v10;
	v47 =	vadd.f32 v27, v12  }
0x8d: {  	v50 =	vld.idx.msk [tilespmem:v21+s7+$0x0], $0xffff;
	[tilespmem:s11+$0xFFFFFFA0] =	vst v45;
	v49 =	vadd.f32 v25, v13  }
0x8e: {  	v52 =	vld.idx.msk [tilespmem:v19+s7+$0x0], $0xffff;
	[tilespmem:s11+$0xFFFFFFB0] =	vst v47;
	v51 =	vadd.f32 v24, v14  }
0x8f: {  	v53 =	vld.idx.msk [tilespmem:v18+s7+$0x0], $0xffff;
	[tilespmem:s11+$0xFFFFFFC0] =	vst v49;
	v0 =	vadd.f32 v23, v0  }
0x90: {  	v54 =	vld.idx.msk [tilespmem:v16+s7+$0x0], $0xffff;
	v1 =	vadd.f32 v46, v1;
	[tilespmem:s11+$0xFFFFFFD0] =	vst v51  }
0x91: {  	v55 =	vld.idx.msk [tilespmem:v17+s7+$0x0], $0xffff;
	v56 =	vadd.f32 v48, v2;
	[tilespmem:s11+$0xFFFFFFE0] =	vst v0  }
0x92: {  	v57 =	vld.idx.msk [tilespmem:v15+s7+$0x0], $0xffff;
	v58 =	vadd.f32 v50, v3;
	[tilespmem:s11+$0xFFFFFFF0] =	vst v1  }
0x93: {  	v59 =	vadd.f32 v52, v4;
	[tilespmem:s11+$0x80] =	vst v56  }
0x94: {  	v60 =	vadd.f32 v53, v5;
	[tilespmem:s11+$0x90] =	vst v58  }
0x95: {  	v61 =	vadd.f32 v54, v6;
	[tilespmem:s11+$0xA0] =	vst v59  }
0x96: {  	v62 =	vadd.f32 v55, v7;
	[tilespmem:s11+$0xB0] =	vst v60  }
0x97: {  	s10 =	sadd.s32 $0x1, s10;
	v63 =	vadd.f32 v57, v8;
	[tilespmem:s11+$0xC0] =	vst v61  }
0x98: {  	p0 =	sne.s32 s10, s6;
	[tilespmem:s11+$0xD0] =	vst v62  }
.Ltmp2:
0x99: {  	[tilespmem:s11+$0xE0] =	vst v63;
	(pc) =	sbr.rel @p0 .LBB2_1-.Ltmp2, $4  }
0x9a: {  	[hbm4b:s5+s3] =	stream.linear.scatter [tilespmem:s3], [sflag:$0x2], $0x2000, $0x38;
	[tilespmem:$0x2400] =	vst v63  }
0x9b: {  	_ =	swait.ge [sflag:s8], $0x2000  }
0x9c: {  	[sflag:s8] =	ssyncset.done $0x0  }
0x9d: {  	[sflag:s8] =	ssyncadd.s32 $0xFFFFE000  }
0x9e: {  	_ =	sfence.sel $0x180000  }
0x9f: {  	[bflag:$0x0] =	sbarrier.arrive $0xFFFF  }
0xa0: {  	p0 =	sne.s32 s2, $0x0;
	_ =	strace $0x90000047  }
0xa1: {  	s0 =	sadd.s32 @!p0 $0x100000, s0;
	[bflag:$0x2] =	sbarrier.arrive $0xFFFF  }
0xa2: {  	[sflag:s0] =	ssyncadd.tile.s32 @!p0 $0x1;
	_ =	shalt  }
.Lfunc_end2:
_tile_overlayer_lowered:
.L_overlay_start_2:
0xa3: {  	(tag) =	ssettag $0x2  }
0xa4: {  	s0 =	rddreg [dreg:$0x0];
	s2 =	stileid.u32  }
0xa5: {  	s1 =	rddreg [dreg:$0x1];
	p0 =	sne.s32 s2, $0x0  }
0xa6: {  	s3 =	rddreg [dreg:$0x2];
	[bflag:$0x3] =	sbarrier.arrive $0xFFFF;
	s2 =	simm.s32 @!p0 $0x1C02  }
0xa7: {  	[timem:s3], [sflag:s2] =	dma.local @!p0 [hbm:s0], s1  }
0xa8: {  	s0 =	simm.s32 @!p0 $0x2  }
0xa9: {  	_ =	swait.ge @!p0 [sflag:s0], s1  }
0xaa: {  	s1 =	ssub.s32 @!p0 $0x0, s1;
	[sflag:s0] =	ssyncset.done @!p0 $0x0  }
0xab: {  	[sflag:s0] =	ssyncadd.s32 @!p0 s1  }
0xac: {  	[bflag:$0x3] =	sbarrier.arrive $0xFFFF  }
0xad: {  	_ =	shalt  }

</sc_bundles>
